<compile_context>
chip_gen: v7x
topology: tpu7x:2x2x1
jax: 0.10.2.dev20260603
libtpu: 0.0.44.dev20260713+nightly
codegen_flags: <defaults>
</compile_context>

<pallas_src>
import functools

import jax
import jax.numpy as jnp
from jax import lax
from jax.experimental import pallas as pl
from jax.experimental.pallas import tpu as pltpu
from jax.experimental.pallas import tpu_sc as plsc

_BLOCK_ROWS = 2048
_SC_NUM_CORES = 2
_SC_LANES = 16


def _row0_sc_kernel(
    x_ref, pe_ref, out_ref, row_v, pe_v, sem_x, sem_pe, *, batch, seq_len, d_model
):
    wid = lax.axis_index("s") * _SC_NUM_CORES + lax.axis_index("c")
    nw = _SC_NUM_CORES * 16
    per_row = nw // batch
    seg = d_model // per_row
    row = wid // per_row
    col = (wid % per_row) * seg

    cp_x = pltpu.async_copy(x_ref.at[row * seq_len, pl.ds(col, seg)], row_v, sem_x)
    cp_pe = pltpu.async_copy(pe_ref.at[0, pl.ds(col, seg)], pe_v, sem_pe)
    cp_x.wait()
    cp_pe.wait()
    for i in range(seg // _SC_LANES):
        sl = pl.ds(i * _SC_LANES, _SC_LANES)
        row_v[sl] = row_v[sl] + pe_v[sl]
    pltpu.sync_copy(row_v, out_ref.at[row, pl.ds(col, seg)])


def _pe_add_kernel(x_ref, pe_ref, o_ref):
    pe1 = pe_ref[1, :]
    o_ref[...] = x_ref[...] + pe1[None, :]


def _splice_kernel(y_ref, row0_ref, o_ref):
    b = pl.program_id(0)
    o_ref[...] = y_ref[...]
    o_ref[0, :] = row0_ref[b, :]


def kernel(x, pos_embeddings):
    b, s, d = x.shape
    x2 = x.reshape(b * s, d)

    row0 = pl.kernel(
        functools.partial(_row0_sc_kernel, batch=b, seq_len=s, d_model=d),
        out_type=jax.ShapeDtypeStruct((b, d), x.dtype),
        mesh=plsc.VectorSubcoreMesh(core_axis_name="c", subcore_axis_name="s"),
        scratch_types=[
            pltpu.VMEM((d // (_SC_NUM_CORES * 16 // b),), jnp.float32),
            pltpu.VMEM((d // (_SC_NUM_CORES * 16 // b),), jnp.float32),
            pltpu.SemaphoreType.DMA,
            pltpu.SemaphoreType.DMA,
        ],
    )(x2, pos_embeddings)

    y = pl.pallas_call(
        _pe_add_kernel,
        grid=(b * s // _BLOCK_ROWS,),
        in_specs=[
            pl.BlockSpec((_BLOCK_ROWS, d), lambda i: (i, 0)),
            pl.BlockSpec((2, d), lambda i: (0, 0)),
        ],
        out_specs=pl.BlockSpec((_BLOCK_ROWS, d), lambda i: (i, 0)),
        out_shape=jax.ShapeDtypeStruct((b * s, d), x.dtype),
    )(x2, pos_embeddings)

    out = pl.pallas_call(
        _splice_kernel,
        grid=(b,),
        in_specs=[
            pl.BlockSpec((8, d), lambda i, seq_len=s: (i * seq_len // 8, 0)),
            pl.BlockSpec((b, d), lambda i: (0, 0)),
        ],
        out_specs=pl.BlockSpec((8, d), lambda i, seq_len=s: (i * seq_len // 8, 0)),
        out_shape=jax.ShapeDtypeStruct((b * s, d), x.dtype),
        input_output_aliases={0: 0},
    )(y, row0)
    return out.reshape(b, s, d)

# --- scband reference (transcript-rebuilt; emitter-appended) ---
"""Pipeline reference for scband-positional-embedding-43722767073625 (READ-ONLY COPY).

The authoritative reference and input builder live on the scoring server;
editing this copy changes nothing except your own understanding.
"""

import jax, jax.numpy as jnp
import numpy as np

D_MODEL = 1024
BATCH = 4
SEQ_LEN = 8192

def setup_inputs(seed: int = 0) -> dict:
    key = jax.random.key(seed)
    kx, kw = jax.random.split(key)
    x = jax.random.normal(kx, (BATCH, SEQ_LEN, D_MODEL), dtype=jnp.float32)
    # Parameter initialized to zeros in the torch module; use small random values
    # so the gather is observable while staying faithful to the parameter shape.
    pos_embeddings = jax.random.normal(kw, (2, D_MODEL), dtype=jnp.float32) * 0.02
    return {"x": x, "pos_embeddings": pos_embeddings}

def reference(x, pos_embeddings):
    seq_len = x.shape[1]
    position_ids = jnp.zeros((seq_len,), dtype=jnp.int64 if jax.config.jax_enable_x64 else jnp.int32)
    position_ids = position_ids.at[1:].set(1)
    position_ids = jnp.broadcast_to(position_ids[None, :], (x.shape[0], seq_len))
    position_embeddings = jnp.take(pos_embeddings, position_ids, axis=0)
    return x + position_embeddings

if __name__ == "__main__":
    import jax
    _d = setup_inputs()
    print(jax.jit(kernel)(*tuple(_d.values())))

</pallas_src>

<mosaic_0001>
#map = affine_map<(d0, d1) -> (0, 0)>
module attributes {stable_mosaic.version = 14 : i64} {
  func.func @_row0_sc_kernel(%arg0: i32, %arg1: i32, %arg2: memref<32768x1024xf32, #tpu.memory_space<hbm>>, %arg3: memref<2x1024xf32, #tpu.memory_space<hbm>>, %arg4: memref<4x1024xf32, #tpu.memory_space<hbm>>, %arg5: memref<128xf32, #tpu.memory_space<vmem>>, %arg6: memref<128xf32, #tpu.memory_space<vmem>>, %arg7: memref<!tpu.dma_semaphore, #tpu.memory_space<semaphore_mem>>, %arg8: memref<!tpu.dma_semaphore, #tpu.memory_space<semaphore_mem>>) attributes {dimension_semantics = [#tpu.dimension_semantics<core_parallel>, #tpu.dimension_semantics<subcore_parallel>], iteration_bounds = array<i64: 2, 16>, scalar_prefetch = 0 : i64, scratch_operands = 4 : i64, tpu.core_type = #tpu.core_type<sc_vector_subcore>, window_params = [{transform_indices = #map}, {transform_indices = #map}, {transform_indices = #map}]} {
    %mul3A = arith.constant 2 : i32
    %mul3A_0 = arith.muli %arg1, %mul3A : i32
    %add3A = arith.addi %mul3A_0, %arg0 : i32
    %jit3A = arith.constant 8 : i32
    %div3A = arith.divsi %add3A, %jit3A : i32
    %sign3A = arith.constant 0 : i32
    %sign3A_1 = arith.cmpi sgt, %add3A, %sign3A : i32
    %sign3A_2 = arith.extui %sign3A_1 : i1 to i32
    %sign3A_3 = arith.constant 0 : i32
    %sign3A_4 = arith.cmpi slt, %add3A, %sign3A_3 : i32
    %sign3A_5 = arith.extui %sign3A_4 : i1 to i32
    %sign3A_6 = arith.subi %sign3A_2, %sign3A_5 : i32
    %sign3A_7 = arith.constant 0 : i32
    %sign3A_8 = arith.cmpi sgt, %jit3A, %sign3A_7 : i32
    %sign3A_9 = arith.extui %sign3A_8 : i1 to i32
    %sign3A_10 = arith.constant 0 : i32
    %sign3A_11 = arith.cmpi slt, %jit3A, %sign3A_10 : i32
    %sign3A_12 = arith.extui %sign3A_11 : i1 to i32
    %sign3A_13 = arith.subi %sign3A_9, %sign3A_12 : i32
    %ne3A = arith.cmpi ne, %sign3A_6, %sign3A_13 : i32
    %rem3A = arith.remsi %add3A, %jit3A : i32
    %ne3A_14 = arith.constant 0 : i32
    %ne3A_15 = arith.cmpi ne, %rem3A, %ne3A_14 : i32
    %and3A = arith.andi %ne3A, %ne3A_15 : i1
    %sub3A = arith.constant 1 : i32
    %sub3A_16 = arith.subi %div3A, %sub3A : i32
    %select_n3A = arith.select %and3A, %sub3A_16, %div3A : i32
    %jit3A_17 = arith.constant 8 : i32
    %eq3A = arith.constant 0 : i32
    %eq3A_18 = arith.cmpi eq, %jit3A_17, %eq3A : i32
    %jit3A_19 = arith.constant 1 : i32
    %select_n3A_20 = arith.select %eq3A_18, %jit3A_19, %jit3A_17 : i32
    %rem3A_21 = arith.remsi %add3A, %select_n3A_20 : i32
    %ne3A_22 = arith.constant 0 : i32
    %ne3A_23 = arith.cmpi ne, %rem3A_21, %ne3A_22 : i32
    %lt3A = arith.constant 0 : i32
    %lt3A_24 = arith.cmpi slt, %rem3A_21, %lt3A : i32
    %lt3A_25 = arith.constant 0 : i32
    %lt3A_26 = arith.cmpi slt, %select_n3A_20, %lt3A_25 : i32
    %ne3A_27 = arith.xori %lt3A_24, %lt3A_26 : i1
    %and3A_28 = arith.andi %ne3A_27, %ne3A_23 : i1
    %add3A_29 = arith.addi %rem3A_21, %select_n3A_20 : i32
    %select_n3A_30 = arith.select %and3A_28, %add3A_29, %rem3A_21 : i32
    %mul3A_31 = arith.constant 128 : i32
    %mul3A_32 = arith.muli %select_n3A_30, %mul3A_31 : i32
    %mul3A_33 = arith.constant 8192 : i32
    %mul3A_34 = arith.muli %select_n3A, %mul3A_33 : i32
    %dma_start3A = tpu.memref_slice %arg2[%mul3A_34, %mul3A_32] : memref<32768x1024xf32, #tpu.memory_space<hbm>> -> memref<1x128xf32, #tpu.memory_space<hbm>>
    %dma_start3A_35 = tpu.memref_squeeze %dma_start3A : memref<1x128xf32, #tpu.memory_space<hbm>> -> memref<128xf32, #tpu.memory_space<hbm>>
    %dma_start3A_36 = tpu.memref_slice %arg2[%mul3A_34, %mul3A_32] : memref<32768x1024xf32, #tpu.memory_space<hbm>> -> memref<1x128xf32, #tpu.memory_space<hbm>>
    %dma_start3A_37 = tpu.memref_squeeze %dma_start3A_36 : memref<1x128xf32, #tpu.memory_space<hbm>> -> memref<128xf32, #tpu.memory_space<hbm>>
    tpu.enqueue_dma source(%dma_start3A_37 : memref<128xf32, #tpu.memory_space<hbm>>) target(%arg5 : memref<128xf32, #tpu.memory_space<vmem>>) target_semaphore(%arg7 : memref<!tpu.dma_semaphore, #tpu.memory_space<semaphore_mem>>)
    %dma_start3A_38 = arith.constant 0 : i32
    %dma_start3A_39 = tpu.memref_slice %arg3[%dma_start3A_38, %mul3A_32] : memref<2x1024xf32, #tpu.memory_space<hbm>> -> memref<1x128xf32, #tpu.memory_space<hbm>>
    %dma_start3A_40 = tpu.memref_squeeze %dma_start3A_39 : memref<1x128xf32, #tpu.memory_space<hbm>> -> memref<128xf32, #tpu.memory_space<hbm>>
    %dma_start3A_41 = tpu.memref_slice %arg3[%dma_start3A_38, %mul3A_32] : memref<2x1024xf32, #tpu.memory_space<hbm>> -> memref<1x128xf32, #tpu.memory_space<hbm>>
    %dma_start3A_42 = tpu.memref_squeeze %dma_start3A_41 : memref<1x128xf32, #tpu.memory_space<hbm>> -> memref<128xf32, #tpu.memory_space<hbm>>
    tpu.enqueue_dma source(%dma_start3A_42 : memref<128xf32, #tpu.memory_space<hbm>>) target(%arg6 : memref<128xf32, #tpu.memory_space<vmem>>) target_semaphore(%arg8 : memref<!tpu.dma_semaphore, #tpu.memory_space<semaphore_mem>>)
    %dma_wait3A = tpu.memref_slice %arg2[%mul3A_34, %mul3A_32] : memref<32768x1024xf32, #tpu.memory_space<hbm>> -> memref<1x128xf32, #tpu.memory_space<hbm>>
    %dma_wait3A_43 = tpu.memref_squeeze %dma_wait3A : memref<1x128xf32, #tpu.memory_space<hbm>> -> memref<128xf32, #tpu.memory_space<hbm>>
    %dma_wait3A_44 = tpu.memref_slice %arg2[%mul3A_34, %mul3A_32] : memref<32768x1024xf32, #tpu.memory_space<hbm>> -> memref<1x128xf32, #tpu.memory_space<hbm>>
    %dma_wait3A_45 = tpu.memref_squeeze %dma_wait3A_44 : memref<1x128xf32, #tpu.memory_space<hbm>> -> memref<128xf32, #tpu.memory_space<hbm>>
    tpu.wait_dma2 semaphore(%arg7 : memref<!tpu.dma_semaphore, #tpu.memory_space<semaphore_mem>>) src(%dma_wait3A_45 : memref<128xf32, #tpu.memory_space<hbm>>) dst(%arg5 : memref<128xf32, #tpu.memory_space<vmem>>)
    %dma_wait3A_46 = arith.constant 0 : i32
    %dma_wait3A_47 = tpu.memref_slice %arg3[%dma_wait3A_46, %mul3A_32] : memref<2x1024xf32, #tpu.memory_space<hbm>> -> memref<1x128xf32, #tpu.memory_space<hbm>>
    %dma_wait3A_48 = tpu.memref_squeeze %dma_wait3A_47 : memref<1x128xf32, #tpu.memory_space<hbm>> -> memref<128xf32, #tpu.memory_space<hbm>>
    %dma_wait3A_49 = tpu.memref_slice %arg3[%dma_wait3A_46, %mul3A_32] : memref<2x1024xf32, #tpu.memory_space<hbm>> -> memref<1x128xf32, #tpu.memory_space<hbm>>
    %dma_wait3A_50 = tpu.memref_squeeze %dma_wait3A_49 : memref<1x128xf32, #tpu.memory_space<hbm>> -> memref<128xf32, #tpu.memory_space<hbm>>
    tpu.wait_dma2 semaphore(%arg8 : memref<!tpu.dma_semaphore, #tpu.memory_space<semaphore_mem>>) src(%dma_wait3A_50 : memref<128xf32, #tpu.memory_space<hbm>>) dst(%arg6 : memref<128xf32, #tpu.memory_space<vmem>>)
    %get3A = arith.constant 0 : index
    %get3A_51 = tpu.vector_load %arg5[%get3A] {strides = array<i32>} : memref<128xf32, #tpu.memory_space<vmem>>, vector<16xf32>,
    %get3A_52 = vector.shape_cast %get3A_51 : vector<16xf32> to vector<16xf32>
    %get3A_53 = arith.constant 0 : index
    %get3A_54 = tpu.vector_load %arg6[%get3A_53] {strides = array<i32>} : memref<128xf32, #tpu.memory_space<vmem>>, vector<16xf32>,
    %get3A_55 = vector.shape_cast %get3A_54 : vector<16xf32> to vector<16xf32>
    %add3A_56 = arith.addf %get3A_52, %get3A_55 : vector<16xf32>
    %swap3A = arith.constant 0 : index
    %swap3A_57 = tpu.vector_load %arg5[%swap3A] {strides = array<i32>} : memref<128xf32, #tpu.memory_space<vmem>>, vector<16xf32>,
    %swap3A_58 = vector.shape_cast %swap3A_57 : vector<16xf32> to vector<16xf32>
    %swap3A_59 = vector.shape_cast %add3A_56 : vector<16xf32> to vector<16xf32>
    tpu.vector_store %arg5[%swap3A], %swap3A_59 {strides = array<i32>} : memref<128xf32, #tpu.memory_space<vmem>>, vector<16xf32>,
    %get3A_60 = arith.constant 16 : index
    %get3A_61 = tpu.vector_load %arg5[%get3A_60] {strides = array<i32>} : memref<128xf32, #tpu.memory_space<vmem>>, vector<16xf32>,
    %get3A_62 = vector.shape_cast %get3A_61 : vector<16xf32> to vector<16xf32>
    %get3A_63 = arith.constant 16 : index
    %get3A_64 = tpu.vector_load %arg6[%get3A_63] {strides = array<i32>} : memref<128xf32, #tpu.memory_space<vmem>>, vector<16xf32>,
    %get3A_65 = vector.shape_cast %get3A_64 : vector<16xf32> to vector<16xf32>
    %add3A_66 = arith.addf %get3A_62, %get3A_65 : vector<16xf32>
    %swap3A_67 = arith.constant 16 : index
    %swap3A_68 = tpu.vector_load %arg5[%swap3A_67] {strides = array<i32>} : memref<128xf32, #tpu.memory_space<vmem>>, vector<16xf32>,
    %swap3A_69 = vector.shape_cast %swap3A_68 : vector<16xf32> to vector<16xf32>
    %swap3A_70 = vector.shape_cast %add3A_66 : vector<16xf32> to vector<16xf32>
    tpu.vector_store %arg5[%swap3A_67], %swap3A_70 {strides = array<i32>} : memref<128xf32, #tpu.memory_space<vmem>>, vector<16xf32>,
    %get3A_71 = arith.constant 32 : index
    %get3A_72 = tpu.vector_load %arg5[%get3A_71] {strides = array<i32>} : memref<128xf32, #tpu.memory_space<vmem>>, vector<16xf32>,
    %get3A_73 = vector.shape_cast %get3A_72 : vector<16xf32> to vector<16xf32>
    %get3A_74 = arith.constant 32 : index
    %get3A_75 = tpu.vector_load %arg6[%get3A_74] {strides = array<i32>} : memref<128xf32, #tpu.memory_space<vmem>>, vector<16xf32>,
    %get3A_76 = vector.shape_cast %get3A_75 : vector<16xf32> to vector<16xf32>
    %add3A_77 = arith.addf %get3A_73, %get3A_76 : vector<16xf32>
    %swap3A_78 = arith.constant 32 : index
    %swap3A_79 = tpu.vector_load %arg5[%swap3A_78] {strides = array<i32>} : memref<128xf32, #tpu.memory_space<vmem>>, vector<16xf32>,
    %swap3A_80 = vector.shape_cast %swap3A_79 : vector<16xf32> to vector<16xf32>
    %swap3A_81 = vector.shape_cast %add3A_77 : vector<16xf32> to vector<16xf32>
    tpu.vector_store %arg5[%swap3A_78], %swap3A_81 {strides = array<i32>} : memref<128xf32, #tpu.memory_space<vmem>>, vector<16xf32>,
    %get3A_82 = arith.constant 48 : index
    %get3A_83 = tpu.vector_load %arg5[%get3A_82] {strides = array<i32>} : memref<128xf32, #tpu.memory_space<vmem>>, vector<16xf32>,
    %get3A_84 = vector.shape_cast %get3A_83 : vector<16xf32> to vector<16xf32>
    %get3A_85 = arith.constant 48 : index
    %get3A_86 = tpu.vector_load %arg6[%get3A_85] {strides = array<i32>} : memref<128xf32, #tpu.memory_space<vmem>>, vector<16xf32>,
    %get3A_87 = vector.shape_cast %get3A_86 : vector<16xf32> to vector<16xf32>
    %add3A_88 = arith.addf %get3A_84, %get3A_87 : vector<16xf32>
    %swap3A_89 = arith.constant 48 : index
    %swap3A_90 = tpu.vector_load %arg5[%swap3A_89] {strides = array<i32>} : memref<128xf32, #tpu.memory_space<vmem>>, vector<16xf32>,
    %swap3A_91 = vector.shape_cast %swap3A_90 : vector<16xf32> to vector<16xf32>
    %swap3A_92 = vector.shape_cast %add3A_88 : vector<16xf32> to vector<16xf32>
    tpu.vector_store %arg5[%swap3A_89], %swap3A_92 {strides = array<i32>} : memref<128xf32, #tpu.memory_space<vmem>>, vector<16xf32>,
    %get3A_93 = arith.constant 64 : index
    %get3A_94 = tpu.vector_load %arg5[%get3A_93] {strides = array<i32>} : memref<128xf32, #tpu.memory_space<vmem>>, vector<16xf32>,
    %get3A_95 = vector.shape_cast %get3A_94 : vector<16xf32> to vector<16xf32>
    %get3A_96 = arith.constant 64 : index
    %get3A_97 = tpu.vector_load %arg6[%get3A_96] {strides = array<i32>} : memref<128xf32, #tpu.memory_space<vmem>>, vector<16xf32>,
    %get3A_98 = vector.shape_cast %get3A_97 : vector<16xf32> to vector<16xf32>
    %add3A_99 = arith.addf %get3A_95, %get3A_98 : vector<16xf32>
    %swap3A_100 = arith.constant 64 : index
    %swap3A_101 = tpu.vector_load %arg5[%swap3A_100] {strides = array<i32>} : memref<128xf32, #tpu.memory_space<vmem>>, vector<16xf32>,
    %swap3A_102 = vector.shape_cast %swap3A_101 : vector<16xf32> to vector<16xf32>
    %swap3A_103 = vector.shape_cast %add3A_99 : vector<16xf32> to vector<16xf32>
    tpu.vector_store %arg5[%swap3A_100], %swap3A_103 {strides = array<i32>} : memref<128xf32, #tpu.memory_space<vmem>>, vector<16xf32>,
    %get3A_104 = arith.constant 80 : index
    %get3A_105 = tpu.vector_load %arg5[%get3A_104] {strides = array<i32>} : memref<128xf32, #tpu.memory_space<vmem>>, vector<16xf32>,
    %get3A_106 = vector.shape_cast %get3A_105 : vector<16xf32> to vector<16xf32>
    %get3A_107 = arith.constant 80 : index
    %get3A_108 = tpu.vector_load %arg6[%get3A_107] {strides = array<i32>} : memref<128xf32, #tpu.memory_space<vmem>>, vector<16xf32>,
    %get3A_109 = vector.shape_cast %get3A_108 : vector<16xf32> to vector<16xf32>
    %add3A_110 = arith.addf %get3A_106, %get3A_109 : vector<16xf32>
    %swap3A_111 = arith.constant 80 : index
    %swap3A_112 = tpu.vector_load %arg5[%swap3A_111] {strides = array<i32>} : memref<128xf32, #tpu.memory_space<vmem>>, vector<16xf32>,
    %swap3A_113 = vector.shape_cast %swap3A_112 : vector<16xf32> to vector<16xf32>
    %swap3A_114 = vector.shape_cast %add3A_110 : vector<16xf32> to vector<16xf32>
    tpu.vector_store %arg5[%swap3A_111], %swap3A_114 {strides = array<i32>} : memref<128xf32, #tpu.memory_space<vmem>>, vector<16xf32>,
    %get3A_115 = arith.constant 96 : index
    %get3A_116 = tpu.vector_load %arg5[%get3A_115] {strides = array<i32>} : memref<128xf32, #tpu.memory_space<vmem>>, vector<16xf32>,
    %get3A_117 = vector.shape_cast %get3A_116 : vector<16xf32> to vector<16xf32>
    %get3A_118 = arith.constant 96 : index
    %get3A_119 = tpu.vector_load %arg6[%get3A_118] {strides = array<i32>} : memref<128xf32, #tpu.memory_space<vmem>>, vector<16xf32>,
    %get3A_120 = vector.shape_cast %get3A_119 : vector<16xf32> to vector<16xf32>
    %add3A_121 = arith.addf %get3A_117, %get3A_120 : vector<16xf32>
    %swap3A_122 = arith.constant 96 : index
    %swap3A_123 = tpu.vector_load %arg5[%swap3A_122] {strides = array<i32>} : memref<128xf32, #tpu.memory_space<vmem>>, vector<16xf32>,
    %swap3A_124 = vector.shape_cast %swap3A_123 : vector<16xf32> to vector<16xf32>
    %swap3A_125 = vector.shape_cast %add3A_121 : vector<16xf32> to vector<16xf32>
    tpu.vector_store %arg5[%swap3A_122], %swap3A_125 {strides = array<i32>} : memref<128xf32, #tpu.memory_space<vmem>>, vector<16xf32>,
    %get3A_126 = arith.constant 112 : index
    %get3A_127 = tpu.vector_load %arg5[%get3A_126] {strides = array<i32>} : memref<128xf32, #tpu.memory_space<vmem>>, vector<16xf32>,
    %get3A_128 = vector.shape_cast %get3A_127 : vector<16xf32> to vector<16xf32>
    %get3A_129 = arith.constant 112 : index
    %get3A_130 = tpu.vector_load %arg6[%get3A_129] {strides = array<i32>} : memref<128xf32, #tpu.memory_space<vmem>>, vector<16xf32>,
    %get3A_131 = vector.shape_cast %get3A_130 : vector<16xf32> to vector<16xf32>
    %add3A_132 = arith.addf %get3A_128, %get3A_131 : vector<16xf32>
    %swap3A_133 = arith.constant 112 : index
    %swap3A_134 = tpu.vector_load %arg5[%swap3A_133] {strides = array<i32>} : memref<128xf32, #tpu.memory_space<vmem>>, vector<16xf32>,
    %swap3A_135 = vector.shape_cast %swap3A_134 : vector<16xf32> to vector<16xf32>
    %swap3A_136 = vector.shape_cast %add3A_132 : vector<16xf32> to vector<16xf32>
    tpu.vector_store %arg5[%swap3A_133], %swap3A_136 {strides = array<i32>} : memref<128xf32, #tpu.memory_space<vmem>>, vector<16xf32>,
    "tpu.region"() ({
      %run_scoped3A = tpu.sem_alloc : memref<!tpu.dma_semaphore, #tpu.memory_space<semaphore_mem>>
      %dma_start3A_137 = tpu.memref_slice %arg4[%select_n3A, %mul3A_32] : memref<4x1024xf32, #tpu.memory_space<hbm>> -> memref<1x128xf32, #tpu.memory_space<hbm>>
      %dma_start3A_138 = tpu.memref_squeeze %dma_start3A_137 : memref<1x128xf32, #tpu.memory_space<hbm>> -> memref<128xf32, #tpu.memory_space<hbm>>
      %dma_start3A_139 = tpu.memref_slice %arg4[%select_n3A, %mul3A_32] : memref<4x1024xf32, #tpu.memory_space<hbm>> -> memref<1x128xf32, #tpu.memory_space<hbm>>
      %dma_start3A_140 = tpu.memref_squeeze %dma_start3A_139 : memref<1x128xf32, #tpu.memory_space<hbm>> -> memref<128xf32, #tpu.memory_space<hbm>>
      tpu.enqueue_dma source(%arg5 : memref<128xf32, #tpu.memory_space<vmem>>) target(%dma_start3A_140 : memref<128xf32, #tpu.memory_space<hbm>>) target_semaphore(%run_scoped3A : memref<!tpu.dma_semaphore, #tpu.memory_space<semaphore_mem>>)
      %dma_wait3A_141 = tpu.memref_slice %arg4[%select_n3A, %mul3A_32] : memref<4x1024xf32, #tpu.memory_space<hbm>> -> memref<1x128xf32, #tpu.memory_space<hbm>>
      %dma_wait3A_142 = tpu.memref_squeeze %dma_wait3A_141 : memref<1x128xf32, #tpu.memory_space<hbm>> -> memref<128xf32, #tpu.memory_space<hbm>>
      %dma_wait3A_143 = tpu.memref_slice %arg4[%select_n3A, %mul3A_32] : memref<4x1024xf32, #tpu.memory_space<hbm>> -> memref<1x128xf32, #tpu.memory_space<hbm>>
      %dma_wait3A_144 = tpu.memref_squeeze %dma_wait3A_143 : memref<1x128xf32, #tpu.memory_space<hbm>> -> memref<128xf32, #tpu.memory_space<hbm>>
      tpu.wait_dma2 semaphore(%run_scoped3A : memref<!tpu.dma_semaphore, #tpu.memory_space<semaphore_mem>>) src(%arg5 : memref<128xf32, #tpu.memory_space<vmem>>) dst(%dma_wait3A_144 : memref<128xf32, #tpu.memory_space<hbm>>)
      tpu.yield
    }) : () -> ()
    return
  }
}

module attributes {stable_mosaic.version = 14 : i64} {
  func.func @_pe_add_kernel(%arg0: i32, %arg1: memref<2048x1024xf32, #tpu.memory_space<vmem>>, %arg2: memref<2x1024xf32, #tpu.memory_space<vmem>>, %arg3: memref<2048x1024xf32, #tpu.memory_space<vmem>>) attributes {dimension_semantics = [#tpu.dimension_semantics<arbitrary>], iteration_bounds = array<i64: 16>, scalar_prefetch = 0 : i64, scratch_operands = 0 : i64, tpu.core_type = #tpu.core_type<tc>, window_params = [{transform_indices = @transform_0, window_bounds = array<i64: 2048, 1024>}, {pipeline_mode = #tpu.pipeline_mode<synchronous>, transform_indices = @transform_1, window_bounds = array<i64: 2, 1024>}, {transform_indices = @transform_2, window_bounds = array<i64: 2048, 1024>}]} {
    %get3A = arith.constant 1 : index
    %get3A_0 = arith.constant 0 : index
    %get3A_1 = vector.load %arg2[%get3A, %get3A_0] : memref<2x1024xf32, #tpu.memory_space<vmem>>, vector<1x1024xf32>
    %get3A_2 = vector.shape_cast %get3A_1 : vector<1x1024xf32> to vector<1024xf32>
    %get3A_3 = arith.constant 0 : index
    %get3A_4 = arith.constant 0 : index
    %get3A_5 = vector.load %arg1[%get3A_3, %get3A_4] : memref<2048x1024xf32, #tpu.memory_space<vmem>>, vector<2048x1024xf32>
    %broadcast_in_dim3A = vector.shape_cast %get3A_2 : vector<1024xf32> to vector<1x1024xf32>
    %add3A = vector.broadcast %broadcast_in_dim3A : vector<1x1024xf32> to vector<2048x1024xf32>
    %add3A_6 = arith.addf %get3A_5, %add3A : vector<2048x1024xf32>
    %swap3A = arith.constant 0 : index
    %swap3A_7 = arith.constant 0 : index
    %swap3A_8 = vector.load %arg3[%swap3A, %swap3A_7] : memref<2048x1024xf32, #tpu.memory_space<vmem>>, vector<2048x1024xf32>
    tpu.vector_store %arg3[%swap3A, %swap3A_7], %add3A_6 {strides = array<i32>} : memref<2048x1024xf32, #tpu.memory_space<vmem>>, vector<2048x1024xf32>,
    return
  }
  func.func @transform_0(%arg0: i32) -> (i32, i32) {
    %c0_i32 = arith.constant 0 : i32
    %c0_i32_0 = arith.constant 0 : i32
    return %arg0, %c0_i32 : i32, i32
  }
  func.func @transform_1(%arg0: i32) -> (i32, i32) {
    %c0_i32 = arith.constant 0 : i32
    %c0_i32_0 = arith.constant 0 : i32
    %c0_i32_1 = arith.constant 0 : i32
    return %c0_i32, %c0_i32_0 : i32, i32
  }
  func.func @transform_2(%arg0: i32) -> (i32, i32) {
    %c0_i32 = arith.constant 0 : i32
    %c0_i32_0 = arith.constant 0 : i32
    return %arg0, %c0_i32 : i32, i32
  }
}

module attributes {stable_mosaic.version = 14 : i64} {
  func.func @_splice_kernel(%arg0: i32, %arg1: memref<8x1024xf32, #tpu.memory_space<vmem>>, %arg2: memref<4x1024xf32, #tpu.memory_space<vmem>>, %arg3: memref<8x1024xf32, #tpu.memory_space<vmem>>) attributes {dimension_semantics = [#tpu.dimension_semantics<arbitrary>], iteration_bounds = array<i64: 4>, scalar_prefetch = 0 : i64, scratch_operands = 0 : i64, tpu.core_type = #tpu.core_type<tc>, window_params = [{transform_indices = @transform_0, window_bounds = array<i64: 8, 1024>}, {pipeline_mode = #tpu.pipeline_mode<synchronous>, transform_indices = @transform_1, window_bounds = array<i64: 4, 1024>}, {transform_indices = @transform_2, window_bounds = array<i64: 8, 1024>}]} {
    %get3A = arith.constant 0 : index
    %get3A_0 = arith.constant 0 : index
    %get3A_1 = vector.load %arg1[%get3A, %get3A_0] : memref<8x1024xf32, #tpu.memory_space<vmem>>, vector<8x1024xf32>
    %swap3A = arith.constant 0 : index
    %swap3A_2 = arith.constant 0 : index
    %swap3A_3 = vector.load %arg3[%swap3A, %swap3A_2] : memref<8x1024xf32, #tpu.memory_space<vmem>>, vector<8x1024xf32>
    tpu.vector_store %arg3[%swap3A, %swap3A_2], %get3A_1 {strides = array<i32>} : memref<8x1024xf32, #tpu.memory_space<vmem>>, vector<8x1024xf32>,
    %get3A_4 = arith.index_cast %arg0 : i32 to index
    %get3A_5 = arith.constant 0 : index
    %get3A_6 = vector.load %arg2[%get3A_4, %get3A_5] : memref<4x1024xf32, #tpu.memory_space<vmem>>, vector<1x1024xf32>
    %get3A_7 = vector.shape_cast %get3A_6 : vector<1x1024xf32> to vector<1024xf32>
    %swap3A_8 = arith.constant 0 : index
    %swap3A_9 = arith.constant 0 : index
    %swap3A_10 = vector.load %arg3[%swap3A_8, %swap3A_9] : memref<8x1024xf32, #tpu.memory_space<vmem>>, vector<1x1024xf32>
    %swap3A_11 = vector.shape_cast %swap3A_10 : vector<1x1024xf32> to vector<1024xf32>
    %swap3A_12 = vector.shape_cast %get3A_7 : vector<1024xf32> to vector<1x1024xf32>
    tpu.vector_store %arg3[%swap3A_8, %swap3A_9], %swap3A_12 {strides = array<i32>} : memref<8x1024xf32, #tpu.memory_space<vmem>>, vector<1x1024xf32>,
    return
  }
  func.func @transform_0(%arg0: i32) -> (i32, i32) {
    %mul3A = arith.constant 8192 : i32
    %mul3A_0 = arith.muli %arg0, %mul3A : i32
    %jit3A = arith.constant 8 : i32
    %div3A = arith.divsi %mul3A_0, %jit3A : i32
    %sign3A = arith.constant 0 : i32
    %sign3A_1 = arith.cmpi sgt, %mul3A_0, %sign3A : i32
    %sign3A_2 = arith.extui %sign3A_1 : i1 to i32
    %sign3A_3 = arith.constant 0 : i32
    %sign3A_4 = arith.cmpi slt, %mul3A_0, %sign3A_3 : i32
    %sign3A_5 = arith.extui %sign3A_4 : i1 to i32
    %sign3A_6 = arith.subi %sign3A_2, %sign3A_5 : i32
    %sign3A_7 = arith.constant 0 : i32
    %sign3A_8 = arith.cmpi sgt, %jit3A, %sign3A_7 : i32
    %sign3A_9 = arith.extui %sign3A_8 : i1 to i32
    %sign3A_10 = arith.constant 0 : i32
    %sign3A_11 = arith.cmpi slt, %jit3A, %sign3A_10 : i32
    %sign3A_12 = arith.extui %sign3A_11 : i1 to i32
    %sign3A_13 = arith.subi %sign3A_9, %sign3A_12 : i32
    %ne3A = arith.cmpi ne, %sign3A_6, %sign3A_13 : i32
    %rem3A = arith.remsi %mul3A_0, %jit3A : i32
    %ne3A_14 = arith.constant 0 : i32
    %ne3A_15 = arith.cmpi ne, %rem3A, %ne3A_14 : i32
    %and3A = arith.andi %ne3A, %ne3A_15 : i1
    %sub3A = arith.constant 1 : i32
    %sub3A_16 = arith.subi %div3A, %sub3A : i32
    %select_n3A = arith.select %and3A, %sub3A_16, %div3A : i32
    %c0_i32 = arith.constant 0 : i32
    %c0_i32_17 = arith.constant 0 : i32
    return %select_n3A, %c0_i32 : i32, i32
  }
  func.func @transform_1(%arg0: i32) -> (i32, i32) {
    %c0_i32 = arith.constant 0 : i32
    %c0_i32_0 = arith.constant 0 : i32
    %c0_i32_1 = arith.constant 0 : i32
    return %c0_i32, %c0_i32_0 : i32, i32
  }
  func.func @transform_2(%arg0: i32) -> (i32, i32) {
    %mul3A = arith.constant 8192 : i32
    %mul3A_0 = arith.muli %arg0, %mul3A : i32
    %jit3A = arith.constant 8 : i32
    %div3A = arith.divsi %mul3A_0, %jit3A : i32
    %sign3A = arith.constant 0 : i32
    %sign3A_1 = arith.cmpi sgt, %mul3A_0, %sign3A : i32
    %sign3A_2 = arith.extui %sign3A_1 : i1 to i32
    %sign3A_3 = arith.constant 0 : i32
    %sign3A_4 = arith.cmpi slt, %mul3A_0, %sign3A_3 : i32
    %sign3A_5 = arith.extui %sign3A_4 : i1 to i32
    %sign3A_6 = arith.subi %sign3A_2, %sign3A_5 : i32
    %sign3A_7 = arith.constant 0 : i32
    %sign3A_8 = arith.cmpi sgt, %jit3A, %sign3A_7 : i32
    %sign3A_9 = arith.extui %sign3A_8 : i1 to i32
    %sign3A_10 = arith.constant 0 : i32
    %sign3A_11 = arith.cmpi slt, %jit3A, %sign3A_10 : i32
    %sign3A_12 = arith.extui %sign3A_11 : i1 to i32
    %sign3A_13 = arith.subi %sign3A_9, %sign3A_12 : i32
    %ne3A = arith.cmpi ne, %sign3A_6, %sign3A_13 : i32
    %rem3A = arith.remsi %mul3A_0, %jit3A : i32
    %ne3A_14 = arith.constant 0 : i32
    %ne3A_15 = arith.cmpi ne, %rem3A, %ne3A_14 : i32
    %and3A = arith.andi %ne3A, %ne3A_15 : i1
    %sub3A = arith.constant 1 : i32
    %sub3A_16 = arith.subi %div3A, %sub3A : i32
    %select_n3A = arith.select %and3A, %sub3A_16, %div3A : i32
    %c0_i32 = arith.constant 0 : i32
    %c0_i32_17 = arith.constant 0 : i32
    return %select_n3A, %c0_i32 : i32, i32
  }
}

</mosaic_0001>

<sc_bundles>
// kernel: kernel.5.cloned.1.call-start
scs
__scs_entry_jumppad:
0x0: {  	(pc) =	sbr.rel $0x88, $3  }
0x1: {  	(tag) =	ssettag $0x0;
	lr =	simm.s32 $0x1  }
0x2: {  	[smem:$0x3F9F] =	sst lr;
	_ =	strace $0xD0000000  }
0x3: {  	_ = 	snop  }
0x4: {  	_ = 	snop  }
0x5: {  	_ = 	snop  }
0x6: {  	_ = 	snop  }
0x7: {  	_ = 	snop  }
__scs_overlays_trampoline_lowered:
0x8: {  	[smem:$0x3FAE] =	sst s0  }
0x9: {  	[smem:$0x3FAF] =	sst s1  }
0xa: {  	[smem:$0x3FB0] =	sst s2  }
0xb: {  	[smem:$0x3FB1] =	sst s3  }
0xc: {  	[smem:$0x3FB2] =	sst s4  }
0xd: {  	[smem:$0x3FB3] =	sst s5  }
0xe: {  	[smem:$0x3FB4] =	sst s6  }
0xf: {  	[smem:$0x3FB5] =	sst s7  }
0x10: {  	[smem:$0x3FB6] =	sst s8  }
0x11: {  	[smem:$0x3FB7] =	sst s9;
	s0 =	simm.s32 @!p0 $0x0  }
0x12: {  	s1 =	sld [smem:$0x3F9D];
	s0 =	simm.s32 @p0 $0x1  }
0x13: {  	[smem:$0x3FB8] =	sst s0;
	s0 =	simm.s32 @!p1 $0x0  }
0x14: {  	s2 =	sld [smem:$0x3F9C];
	s0 =	simm.s32 @p1 $0x1  }
0x15: {  	[smem:$0x3FB9] =	sst s0;
	s0 =	simm.s32 @!p2 $0x0  }
0x16: {  	s3 =	sld [smem:$0x3FDB];
	s0 =	simm.s32 @p2 $0x1  }
0x17: {  	s4 =	simm.s32 $0x1BF5;
	[smem:$0x3FBB] =	sst s0  }
0x18: {  	s0 =	sld [smem:$0x3F9E];
	_ =	swait.ge [sflag:s4], $0x0  }
0x19: {  	s7 =	sld [smem:$0x3F9F]  }
0x1a: {  	s8 =	sadd.s32 $0xFFFFE003, lr  }
0x1b: {  	s9 =	sadd.s32 $0xFFFFFEF7, lr;
	s5 =	simm.s32 $0xFFFFFFFF;
	p2 =	slt.u32 s8, $0xFFFFF086  }
0x1c: {  	p1 =	slt.u32 s9, $0xF7A;
	s5 =	simm.s32 @!p2 $0x0  }
0x1d: {  	s5 =	simm.s32 @p1 $0x1;
	p0 =	seq.s32 s7, s2  }
0x1e: {  	s7 =	smul.u32 @!p0 $0xF7A, s2;
	p2 =	seq.s32 @!p0 s5, $0x0  }
0x1f: {  	s9 =	smul.u32 $0xF7A, s1;
	s8 =	simm.s32 @!p0 $0x1BF5;
	p2 =	por !p2, p0  }
0x20: {  	[sflag:s8] =	ssyncset.s32 @!p0 $0xFFFFF086;
	s6 =	sadd.s32 @!p0 s3, s7;
	s7 =	simm.s32 @!p0 $0x108  }
0x21: {  	s3 =	sadd.s32 s3, s9;
	s6 =	sadd.s32 @!p0 $0x88, s6;
	s7 =	simm.s32 @p2 $0x1082  }
0x22: {  	[simem:s7], [sflag:s8] =	dma.local @!p0 [hbm:s6], $0xF7A  }
0x23: {  	s9 =	sor.u32 $0xD0000000, s2;
	s6 =	simm.s32 $0x108;
	_ =	swait.ge @!p0 [sflag:s8], $0x0  }
0x24: {  	s3 =	sadd.s32 $0x88, s3;
	s6 =	simm.s32 @!p1 $0x1082;
	[sflag:s4] =	ssyncset.s32 $0xFFFFF086  }
0x25: {  	[simem:s6], [sflag:s4] =	dma.local [hbm:s3], $0xF7A  }
0x26: {  	[smem:$0x3F9F] =	sst s1;
	(tag) =	ssettag s2;
	_ =	strace s9  }
0x27: {  	s1 =	sld [smem:$0x3FAF]  }
0x28: {  	s2 =	sld [smem:$0x3FB0]  }
0x29: {  	s4 =	sld [smem:$0x3FB2]  }
0x2a: {  	p0 =	seq.s32 s5, $0x0;
	s5 =	sld [smem:$0x3FB3]  }
0x2b: {  	s6 =	sld [smem:$0x3FB4]  }
0x2c: {  	s7 =	sld [smem:$0x3FB5]  }
0x2d: {  	s3 =	simm.s32 $0x108;
	s8 =	sld [smem:$0x3FB6]  }
0x2e: {  	s3 =	simm.s32 @!p0 $0x1082;
	s9 =	sld [smem:$0x3FB7]  }
0x2f: {  	lr =	sadd.s32 s0, s3;
	s0 =	sld [smem:$0x3FAE]  }
0x30: {  	s3 =	sld [smem:$0x3FB1]  }
0x31: {  	[smem:$0x3FBA] =	sst s10  }
0x32: {  	s10 =	sld [smem:$0x3FB8];
	_ =	sdelay $0x3  }
0x33: {  	p0 =	seq.s32 s10, $0x1;
	s10 =	sld [smem:$0x3FBA];
	_ =	sdelay $0x3  }
0x34: {  	[smem:$0x3FBA] =	sst s10  }
0x35: {  	s10 =	sld [smem:$0x3FB9];
	_ =	sdelay $0x3  }
0x36: {  	p1 =	seq.s32 s10, $0x1;
	s10 =	sld [smem:$0x3FBA];
	_ =	sdelay $0x3  }
0x37: {  	[smem:$0x3FBA] =	sst s10  }
0x38: {  	s10 =	sld [smem:$0x3FBB]  }
0x39: {  	_ = 	snop;
	(pc) =	sbr.ind lr, $3  }
0x3a: {  	_ = 	snop  }
0x3b: {  	_ = 	snop  }
0x3c: {  	p2 =	seq.s32 s10, $0x1;
	s10 =	sld [smem:$0x3FBA]  }
0x3d: {  	_ =	shalt  }
0x3e: {  	_ =	shalt  }
0x3f: {  	_ =	shalt  }
0x40: {  	_ =	shalt  }
0x41: {  	_ =	shalt  }
0x42: {  	_ =	shalt  }
0x43: {  	_ =	shalt  }
0x44: {  	_ =	shalt  }
0x45: {  	_ =	shalt  }
0x46: {  	_ =	shalt  }
0x47: {  	_ =	shalt  }
0x48: {  	_ =	shalt  }
0x49: {  	_ =	shalt  }
0x4a: {  	_ =	shalt  }
0x4b: {  	_ =	shalt  }
0x4c: {  	_ =	shalt  }
0x4d: {  	_ =	shalt  }
0x4e: {  	_ =	shalt  }
0x4f: {  	_ =	shalt  }
0x50: {  	_ =	shalt  }
0x51: {  	_ =	shalt  }
0x52: {  	_ =	shalt  }
0x53: {  	_ =	shalt  }
0x54: {  	_ =	shalt  }
0x55: {  	_ =	shalt  }
0x56: {  	_ =	shalt  }
0x57: {  	_ =	shalt  }
0x58: {  	_ =	shalt  }
0x59: {  	_ =	shalt  }
0x5a: {  	_ =	shalt  }
0x5b: {  	_ =	shalt  }
0x5c: {  	_ =	shalt  }
0x5d: {  	_ =	shalt  }
0x5e: {  	_ =	shalt  }
0x5f: {  	_ =	shalt  }
0x60: {  	_ =	shalt  }
0x61: {  	_ =	shalt  }
0x62: {  	_ =	shalt  }
0x63: {  	_ =	shalt  }
0x64: {  	_ =	shalt  }
0x65: {  	_ =	shalt  }
0x66: {  	_ =	shalt  }
0x67: {  	_ =	shalt  }
0x68: {  	_ =	shalt  }
0x69: {  	_ =	shalt  }
0x6a: {  	_ =	shalt  }
0x6b: {  	_ =	shalt  }
0x6c: {  	_ =	shalt  }
0x6d: {  	_ =	shalt  }
0x6e: {  	_ =	shalt  }
0x6f: {  	_ =	shalt  }
0x70: {  	_ =	shalt  }
0x71: {  	_ =	shalt  }
0x72: {  	_ =	shalt  }
0x73: {  	_ =	shalt  }
0x74: {  	_ =	shalt  }
0x75: {  	_ =	shalt  }
0x76: {  	_ =	shalt  }
0x77: {  	_ =	shalt  }
0x78: {  	_ =	shalt  }
0x79: {  	_ =	shalt  }
0x7a: {  	_ =	shalt  }
0x7b: {  	_ =	shalt  }
0x7c: {  	_ =	shalt  }
0x7d: {  	_ =	shalt  }
0x7e: {  	_ =	shalt  }
0x7f: {  	_ =	shalt  }
0x80: {  	_ =	shalt  }
0x81: {  	_ =	shalt  }
0x82: {  	_ =	shalt  }
0x83: {  	_ =	shalt  }
0x84: {  	_ =	shalt  }
0x85: {  	_ =	shalt  }
0x86: {  	_ =	shalt  }
0x87: {  	_ =	shalt  }
.Lfunc_end0:
.L_simem_size_0:
called_computation_lowered:
.L_overlay_start_0:
0x88: {  	s2 =	sld [smem:$0x3FD9]  }
0x89: {  	s3 =	sld [smem:$0x3FFE];
	_ =	sdelay $0x1  }
0x8a: {  	s1 =	srdreg.scid  }
0x8b: {  	s0 =	sand.u32 $0x1, s1  }
0x8c: {  	s17 =	sshll.u32 s0, $0xA;
	s2 =	sadd.s32 s3, s2  }
0x8d: {  	s2 =	sadd.s32 s2, s17  }
0x8e: {  	[smem:$0x3FC6] =	sst s2  }
0x8f: {  	_ = 	snop  }
0x90: {  	s2 =	sld [smem:$0x3FC9]  }
0x91: {  	s18 =	sld [smem:$0x3FC8];
	(tm) =	ssettm $0x1  }
0x92: {  	s4 =	sld [smem:$0x3FFB];
	_ =	sdelay $0x3  }
0x93: {  	_ =	strace s4  }
0x94: {  	s4 =	sld [smem:$0x3FFC];
	_ =	sdelay $0x3  }
0x95: {  	_ =	strace s4  }
0x96: {  	s4 =	sld [smem:$0x3FFD];
	_ =	sdelay $0x3  }
0x97: {  	_ =	strace s4  }
0x98: {  	_ =	strace $0x8FFFFFFF  }
0x99: {  	s19 =	sld [smem:$0x3FDB];
	_ =	sdelay $0x1  }
0x9a: {  	s5 =	simm.s32 $_scs_section_size  }
0x9b: {  	s6 =	simm.s32 $_size__tile_overlayer_lowered;
	s7 =	simm.s32 $_tile_overlayer_lowered  }
0x9c: {  	s22 =	simm.s32 $0x1BFF;
	s21 =	sshll.u32 s7, $0x1;
	s4 =	sadd.s32 s5, s19  }
0x9d: {  	s8 =	simm.s32 $0x0;
	s20 =	sshll.u32 s6, $0x1;
	s6 =	sadd.s32 s21, s4  }
0x9e: {  	[timem:s8], [sflag:s22] =	dma.local [hbm:s6], s20  }
0x9f: {  	_ =	swait.ge [sflag:s22], s20  }
0xa0: {  	s5 =	ssub.s32 $0x0, s20;
	[sflag:s22] =	ssyncset.done $0x0  }
0xa1: {  	[sflag:s22] =	ssyncadd.s32 s5;
	_ =	sdelay $0x1  }
0xa2: {  	s23 =	simm.s32 $0x1B8B  }
0xa3: {  	_ =	swait.ge [sflag:s23], $0x1  }
0xa4: {  	[sflag:s23] =	ssyncset.done $0x0  }
0xa5: {  	s25 =	simm.s32 $0x1B8E;
	s24 =	sld [smem:$0x3FFE];
	[sflag:s23] =	ssyncadd.s32 $0xFFFFFFFF  }
0xa6: {  	s26 =	simm.s32 $execute0_lowered;
	[smem:$0x3FD2] =	sst s25  }
0xa7: {  	s6 =	sshll.u32 s26, $0x1;
	_ =	strace $0x80000046;
	[dreg:$0x1] =	wrdreg $0xFFFFFFFF  }
0xa8: {  	s28 =	simm.s32 $_size_execute0_lowered;
	s4 =	sadd.s32 s4, s6;
	[dreg:$0x0] =	wrdreg $0x0  }
0xa9: {  	s6 =	sshll.u32 s28, $0x1;
	[dreg:$0x2] =	wrdreg s4  }
0xaa: {  	[dreg:$0x3] =	wrdreg s6  }
0xab: {  	[dreg:$0x4] =	wrdreg $0xC0  }
0xac: {  	_ =	task [dreg:s8], $0x5FFFF  }
0xad: {  	[dreg:$0x1] =	wrdreg $0xFFFFFFFF  }
0xae: {  	[dreg:$0x0] =	wrdreg $0x60  }
0xaf: {  	[dreg:$0x2] =	wrdreg s2  }
0xb0: {  	[dreg:$0x3] =	wrdreg s18  }
0xb1: {  	[dreg:$0x4] =	wrdreg s24  }
0xb2: {  	[dreg:$0x5] =	wrdreg $0x9  }
0xb3: {  	_ =	task.clear_ibuf [dreg:s8], $0x6FFFF;
	_ =	strace $0x90000046  }
0xb4: {  	s29 =	simm.s32 $0x9;
	_ =	strace $0x80000048  }
0xb5: {  	_ =	swait.ge [sflag:s29], $0x1  }
0xb6: {  	[sflag:s29] =	ssyncadd.s32 $0xFFFFFFFF  }
0xb7: {  	_ =	strace $0x90000048  }
0xb8: {  	_ =	sfence  }
0xb9: {  	s30 =	sld [smem:$0x0];
	_ =	sdelay $0x2  }
0xba: {  	s31 =	sshll.u32 s1, $0xD;
	s1 =	sshrl.u32 s1, $0x2  }
0xbb: {  	s3 =	sand.u32 $0x4000, s31;
	s1 =	sadd.s32 s1, s30  }
0xbc: {  	s0 =	sor.u32 s3, s0;
	s1 =	sshll.u32 s1, $0x11  }
0xbd: {  	s0 =	sor.u32 s1, s0  }
0xbe: {  	s0 =	sadd.s32 $0x8F2B, s0  }
0xbf: {  	[sflag:s0] =	ssyncadd.remote.s32 $0x1  }
0xc0: {  	_ =	sfence.sel $0xFFFF  }
0xc1: {  	[dreg:$0x0] =	wrdreg $0xFFFFFFFF;
	(pc) =	sbr.abs _section_cstart, $3  }
0xc2: {  	[dreg:$0x1] =	wrdreg $0xFFFFFFFF  }
0xc3: {  	_ =	task.clear_ibuf [dreg:s8], $0x2FFFF;
	_ =	strace $0x9FFFFFFF  }
0xc4: {  	(tm) =	ssettm $0x7FFFFFFF  }
0xc5: {  	_ =	shalt  }
tec
execute0_lowered:
.L_overlay_start_1:
0x0: {  	(tag) =	ssettag $0x1  }
0x1: {  	s3 =	rddreg [dreg:$0x0]  }
0x2: {  	s4 =	rddreg [dreg:$0x1]  }
0x3: {  	s5 =	rddreg [dreg:$0x2];
	s6 =	srdreg.scid  }
0x4: {  	s0 =	rddreg [dreg:$0x3];
	s2 =	simm.s32 $0x0;
	s6 =	sand.u32 $0x1, s6  }
0x5: {  	s1 =	stileid.u32;
	p0 =	por $0x0, $0x0;
	s10 =	ssub.s32 $0x2, s6  }
0x6: {  	[smem:$0x7FF] =	sst s2;
	s7 =	sshrl.u32 s1, $0x2;
	s24 =	sshrl.u32 s10, $0x1  }
0x7: {  	s8 =	sshll.u32 s1, $0x1;
	_ =	strace $0x80000047;
	s25 =	ssub.s32 s10, s24  }
0x8: {  	s9 =	sshll.u32 s7, $0x4;
	s8 =	sand.u32 $0x6, s8;
	s31 =	smax.u32 s25, $0x1  }
0x9: {  	s26 =	sshll.u32 s7, $0x14;
	s7 =	simm.s32 $0x2;
	p1 =	sne.s32 s31, $0x1  }
.Ltmp0:
0xa: {  	s9 =	sadd.s32 s9, s5;
	s6 =	sor.u32 s6, s8;
	(pc) =	sbr.rel @!p1 .LBB2_3-.Ltmp0, $4  }
0xb: {  	s3 =	sadd.s32 s3, s26;
	s8 =	simm.s32 $0x1;
	s28 =	sshll.u32 s6, $0x7  }
0xc: {  	s29 =	sshll.u32 s6, $0x5;
	s11 =	sshll.u32 s6, $0x6;
	s5 =	sadd.s32 s28, s3  }
0xd: {  	s6 =	sadd.s32 s4, s29;
	s30 =	sadd.s32 s11, s9;
	s9 =	simm.s32 $0x80  }
0xe: {  	s4 =	simm.s32 $0x3;
	s3 =	sadd.s32 $0x800, s30;
	s10 =	sadd.s32 $0xFFFFFFFF, s31  }
0xf: {  	[tilespmem:s2], [sflag:$0x1] =	stream.linear.gather [hbm4b:s5+s2], $0x80, $0x38;
	[tilespmem:$0x100] =	vst v63  }
0x10: {  	_ = 	snop  }
0x11: {  	[tilespmem:s9], [sflag:$0x2] =	stream.linear.gather [hbm4b:s6+s2], $0x80, $0x38;
	[tilespmem:$0x100] =	vst v63  }
0x12: {  	_ =	swait.ge [sflag:s8], $0x80  }
0x13: {  	[sflag:s8] =	ssyncset.done $0x0  }
0x14: {  	[sflag:s8] =	ssyncadd.s32 $0xFFFFFF80  }
0x15: {  	_ =	swait.ge [sflag:s7], $0x80  }
0x16: {  	[sflag:s7] =	ssyncset.done $0x0  }
0x17: {  	[sflag:s7] =	ssyncadd.s32 $0xFFFFFF80  }
0x18: {  	v0 =	vld [tilespmem:$0xC0]  }
0x19: {  	v1 =	vld [tilespmem:$0xF0]  }
0x1a: {  	v2 =	vld [tilespmem:$0x70]  }
0x1b: {  	v3 =	vld [tilespmem:$0xD0]  }
0x1c: {  	v4 =	vld [tilespmem:$0x50]  }
0x1d: {  	v5 =	vld [tilespmem:$0xB0]  }
0x1e: {  	v6 =	vld [tilespmem:$0xE0]  }
0x1f: {  	v7 =	vld [tilespmem:$0x40]  }
0x20: {  	v8 =	vld [tilespmem:$0x90]  }
0x21: {  	v9 =	vld [tilespmem:$0x20]  }
0x22: {  	v10 =	vld [tilespmem:$0x30]  }
0x23: {  	v11 =	vld [tilespmem:$0xA0]  }
0x24: {  	v62 =	vld [tilespmem:$0x10]  }
0x25: {  	v63 =	vld [tilespmem:$0x80];
	v1 =	vadd.f32 v1, v2  }
0x26: {  	v2 =	vld [tilespmem:$0x60];
	v3 =	vadd.f32 v3, v4  }
0x27: {  	v0 =	vadd.f32 v0, v7;
	[tilespmem:$0x70] =	vst v1;
	v1 =	vld [tilespmem:$0x0]  }
0x28: {  	p1 =	sne.s32 s10, $0x1;
	[tilespmem:$0x50] =	vst v3;
	v3 =	vadd.f32 v5, v10  }
.Ltmp1:
0x29: {  	[tilespmem:$0x40] =	vst v0;
	v0 =	vadd.f32 v11, v9;
	(pc) =	sbr.rel @!p1 .LBB2_3-.Ltmp1, $4  }
0x2a: {  	[tilespmem:$0x30] =	vst v3;
	v3 =	vadd.f32 v8, v62  }
0x2b: {  	[tilespmem:$0x20] =	vst v0;
	v2 =	vadd.f32 v6, v2  }
0x2c: {  	[tilespmem:$0x10] =	vst v3;
	v0 =	vadd.f32 v63, v1  }
0x2d: {  	s10 =	sadd.s32 $0xFFFFFFFF, s10;
	p0 =	por $0x1, $0x1;
	[tilespmem:$0x60] =	vst v2  }
.LBB2_2:
0x2e: {  	p1 =	sne.s32 s10, $0x1;
	s10 =	sadd.s32 $0xFFFFFFFF, s10;
	[tilespmem:$0x0] =	vst v0  }
0x2f: {  	[hbm4b:s3+s2] =	stream.linear.scatter [tilespmem:s2], [sflag:$0x3], $0x80, $0x38;
	[tilespmem:$0x100] =	vst v63  }
0x30: {  	_ =	swait.ge [sflag:s4], $0x80  }
0x31: {  	[sflag:s4] =	ssyncset.done $0x0  }
0x32: {  	[sflag:s4] =	ssyncadd.s32 $0xFFFFFF80  }
0x33: {  	[tilespmem:s2], [sflag:$0x1] =	stream.linear.gather [hbm4b:s5+s2], $0x80, $0x38;
	[tilespmem:$0x100] =	vst v63  }
0x34: {  	_ = 	snop  }
0x35: {  	[tilespmem:s9], [sflag:$0x2] =	stream.linear.gather [hbm4b:s6+s2], $0x80, $0x38;
	[tilespmem:$0x100] =	vst v63  }
0x36: {  	_ =	swait.ge [sflag:s8], $0x80  }
0x37: {  	[sflag:s8] =	ssyncset.done $0x0  }
0x38: {  	[sflag:s8] =	ssyncadd.s32 $0xFFFFFF80  }
0x39: {  	_ =	swait.ge [sflag:s7], $0x80  }
0x3a: {  	[sflag:s7] =	ssyncset.done $0x0  }
0x3b: {  	[sflag:s7] =	ssyncadd.s32 $0xFFFFFF80  }
0x3c: {  	v0 =	vld [tilespmem:$0xC0]  }
0x3d: {  	v1 =	vld [tilespmem:$0xF0]  }
0x3e: {  	v2 =	vld [tilespmem:$0x70]  }
0x3f: {  	v3 =	vld [tilespmem:$0xD0]  }
0x40: {  	v4 =	vld [tilespmem:$0x50]  }
0x41: {  	v5 =	vld [tilespmem:$0xB0]  }
0x42: {  	v6 =	vld [tilespmem:$0xE0]  }
0x43: {  	v7 =	vld [tilespmem:$0x40];
	v1 =	vadd.f32 v1, v2  }
0x44: {  	v2 =	vld [tilespmem:$0x90]  }
0x45: {  	v8 =	vld [tilespmem:$0x20];
	v3 =	vadd.f32 v3, v4;
	[tilespmem:$0x70] =	vst v1  }
0x46: {  	v1 =	vld [tilespmem:$0x0]  }
0x47: {  	v4 =	vld [tilespmem:$0x30];
	[tilespmem:$0x50] =	vst v3  }
0x48: {  	v3 =	vld [tilespmem:$0xA0];
	v0 =	vadd.f32 v0, v7  }
0x49: {  	v7 =	vld [tilespmem:$0x60]  }
0x4a: {  	v9 =	vld [tilespmem:$0x10];
	[tilespmem:$0x40] =	vst v0  }
0x4b: {  	v0 =	vld [tilespmem:$0x80]  }
0x4c: {  	v4 =	vadd.f32 v5, v4  }
.Ltmp2:
0x4d: {  	v3 =	vadd.f32 v3, v8;
	(pc) =	sbr.rel @p1 .LBB2_2-.Ltmp2, $4  }
0x4e: {  	[tilespmem:$0x30] =	vst v4;
	v4 =	vadd.f32 v6, v7  }
0x4f: {  	v2 =	vadd.f32 v2, v9;
	[tilespmem:$0x20] =	vst v3  }
0x50: {  	v0 =	vadd.f32 v0, v1;
	[tilespmem:$0x60] =	vst v4  }
0x51: {  	[tilespmem:$0x10] =	vst v2  }
.LBB2_3:
0x52: {  	[tilespmem:$0x0] =	vst @p0 v0  }
0x53: {  	[hbm4b:s3+s2] =	stream.linear.scatter @p0 [tilespmem:s2], [sflag:$0x3], $0x80, $0x38;
	[tilespmem:$0x100] =	vst v63  }
0x54: {  	_ =	swait.ge @p0 [sflag:s4], $0x80  }
0x55: {  	[sflag:s4] =	ssyncset.done @p0 $0x0  }
0x56: {  	[sflag:s4] =	ssyncadd.s32 @p0 $0xFFFFFF80  }
0x57: {  	[tilespmem:s2], [sflag:$0x1] =	stream.linear.gather [hbm4b:s5+s2], $0x80, $0x38;
	[tilespmem:$0x100] =	vst v63  }
0x58: {  	_ = 	snop  }
0x59: {  	[tilespmem:s9], [sflag:$0x2] =	stream.linear.gather [hbm4b:s6+s2], $0x80, $0x38;
	[tilespmem:$0x100] =	vst v63  }
0x5a: {  	_ =	swait.ge [sflag:s8], $0x80  }
0x5b: {  	[sflag:s8] =	ssyncset.done $0x0  }
0x5c: {  	[sflag:s8] =	ssyncadd.s32 $0xFFFFFF80  }
0x5d: {  	_ =	swait.ge [sflag:s7], $0x80  }
0x5e: {  	[sflag:s7] =	ssyncset.done $0x0  }
0x5f: {  	[sflag:s7] =	ssyncadd.s32 $0xFFFFFF80  }
0x60: {  	v56 =	vld [tilespmem:$0xC0]  }
0x61: {  	v1 =	vld [tilespmem:$0xF0]  }
0x62: {  	v2 =	vld [tilespmem:$0x70]  }
0x63: {  	v3 =	vld [tilespmem:$0xD0]  }
0x64: {  	v4 =	vld [tilespmem:$0x50]  }
0x65: {  	v5 =	vld [tilespmem:$0xB0]  }
0x66: {  	v6 =	vld [tilespmem:$0xE0]  }
0x67: {  	v7 =	vld [tilespmem:$0x40]  }
0x68: {  	v8 =	vld [tilespmem:$0x90]  }
0x69: {  	v9 =	vld [tilespmem:$0x20]  }
0x6a: {  	v10 =	vld [tilespmem:$0x0]  }
0x6b: {  	v11 =	vld [tilespmem:$0x30]  }
0x6c: {  	v12 =	vld [tilespmem:$0xA0]  }
0x6d: {  	v57 =	vld [tilespmem:$0x60];
	v1 =	vadd.f32 v1, v2  }
0x6e: {  	v58 =	vld [tilespmem:$0x10];
	v3 =	vadd.f32 v3, v4  }
0x6f: {  	v59 =	vld [tilespmem:$0x80];
	v0 =	vadd.f32 v56, v7;
	[tilespmem:$0x70] =	vst v1  }
0x70: {  	v60 =	vadd.f32 v5, v11;
	[tilespmem:$0x50] =	vst v3  }
0x71: {  	v61 =	vadd.f32 v12, v9;
	[tilespmem:$0x40] =	vst v0  }
0x72: {  	v2 =	vadd.f32 v6, v57;
	[tilespmem:$0x30] =	vst v60  }
0x73: {  	v62 =	vadd.f32 v8, v58;
	[tilespmem:$0x20] =	vst v61  }
0x74: {  	v63 =	vadd.f32 v59, v10;
	[tilespmem:$0x60] =	vst v2  }
0x75: {  	[tilespmem:$0x10] =	vst v62  }
0x76: {  	[tilespmem:$0x0] =	vst v63  }
0x77: {  	[hbm4b:s3+s2] =	stream.linear.scatter [tilespmem:s2], [sflag:$0x3], $0x80, $0x38;
	[tilespmem:$0x100] =	vst v63  }
0x78: {  	_ =	swait.ge [sflag:s4], $0x80  }
0x79: {  	[sflag:s4] =	ssyncset.done $0x0  }
0x7a: {  	[sflag:s4] =	ssyncadd.s32 $0xFFFFFF80  }
0x7b: {  	_ =	sfence.sel $0x180000  }
0x7c: {  	[bflag:$0x0] =	sbarrier.arrive $0xFFFF  }
0x7d: {  	p0 =	sne.s32 s1, $0x0;
	_ =	strace $0x90000047  }
0x7e: {  	s0 =	sadd.s32 @!p0 $0x100000, s0;
	[bflag:$0x2] =	sbarrier.arrive $0xFFFF  }
0x7f: {  	[sflag:s0] =	ssyncadd.tile.s32 @!p0 $0x1;
	_ =	shalt  }
.Lfunc_end2:
_tile_overlayer_lowered:
.L_overlay_start_2:
0x80: {  	(tag) =	ssettag $0x2  }
0x81: {  	s0 =	rddreg [dreg:$0x0];
	s2 =	stileid.u32  }
0x82: {  	s1 =	rddreg [dreg:$0x1];
	p0 =	sne.s32 s2, $0x0  }
0x83: {  	s3 =	rddreg [dreg:$0x2];
	[bflag:$0x3] =	sbarrier.arrive $0xFFFF;
	s2 =	simm.s32 @!p0 $0x1C03  }
0x84: {  	[timem:s3], [sflag:s2] =	dma.local @!p0 [hbm:s0], s1  }
0x85: {  	s0 =	simm.s32 @!p0 $0x3  }
0x86: {  	_ =	swait.ge @!p0 [sflag:s0], s1  }
0x87: {  	s1 =	ssub.s32 @!p0 $0x0, s1;
	[sflag:s0] =	ssyncset.done @!p0 $0x0  }
0x88: {  	[sflag:s0] =	ssyncadd.s32 @!p0 s1  }
0x89: {  	[bflag:$0x3] =	sbarrier.arrive $0xFFFF  }
0x8a: {  	_ =	shalt  }

</sc_bundles>
